<compile_context>
chip_gen: v7x
topology: tpu7x:2x2x1
jax: 0.10.2.dev20260603
libtpu: 0.0.44.dev20260713+nightly
codegen_flags: <defaults>
</compile_context>

<pallas_src>
import functools

import jax
import jax.numpy as jnp
from jax import lax
from jax.experimental import pallas as pl
from jax.experimental.pallas import tpu as pltpu
from jax.experimental.pallas import tpu_sc as plsc

NC, NS = 2, 16
NW = NC * NS
B, D = 16384, 128
BPW = B // NW
CHUNK = 128
NCH = BPW // CHUNK

_mesh = plsc.VectorSubcoreMesh(
    core_axis_name="c", subcore_axis_name="s", num_cores=NC, num_subcores=NS
)


@functools.partial(
    pl.kernel,
    out_type=(
        jax.ShapeDtypeStruct((B, D), jnp.float32),
        jax.ShapeDtypeStruct((B, D), jnp.float32),
    ),
    mesh=_mesh,
    scratch_types=(
        [pltpu.VMEM((NCH, CHUNK), jnp.int32)]
        + [pltpu.VMEM((CHUNK, D), jnp.float32) for _ in range(7)]
        + [pltpu.SemaphoreType.DMA for _ in range(14)]
    ),
)
def _gather2(idx_hbm, e1_hbm, e2_hbm, o1_hbm, o2_hbm, idx_v, *sc):
    NBUF = 7
    bufs = sc[:NBUF]
    gsems = sc[NBUF:2 * NBUF]
    wsems = sc[2 * NBUF:]

    wid = lax.axis_index("s") * NC + lax.axis_index("c")
    base = wid * BPW
    pltpu.sync_copy(idx_hbm.at[wid], idx_v)

    tabs = (e1_hbm, e2_hbm)
    outs = (o1_hbm, o2_hbm)
    tasks = [(t, c) for t in range(2) for c in range(NCH)]
    NT = len(tasks)

    def start_g(i):
        t, c = tasks[i]
        return pltpu.async_copy(
            tabs[t].at[idx_v.at[c]], bufs[i % NBUF], gsems[i % NBUF])

    def start_w(i):
        t, c = tasks[i]
        return pltpu.async_copy(
            bufs[i % NBUF], outs[t].at[pl.ds(base + c * CHUNK, CHUNK)],
            wsems[i % NBUF])

    gdesc = [None] * NT
    wdesc = [None] * NT
    for i in range(min(NBUF, NT)):
        gdesc[i] = start_g(i)
    for i in range(NT):
        gdesc[i].wait()
        wdesc[i] = start_w(i)
        j = i + NBUF
        if j < NT:
            wdesc[i].wait()
            gdesc[j] = start_g(j)
    for i in range(max(0, NT - NBUF), NT):
        wdesc[i].wait()


def kernel(idx, emb1, emb2):
    idx3 = idx.reshape(NW, NCH, CHUNK).astype(jnp.int32)
    return _gather2(idx3, emb1, emb2)

# --- scband reference (transcript-rebuilt; emitter-appended) ---
"""Pipeline reference for scband-node-embedding-32023276159116 (READ-ONLY COPY).

The authoritative reference and input builder live on the scoring server;
editing this copy changes nothing except your own understanding.
"""

import jax, jax.numpy as jnp
import numpy as np

NNODES = 100000
DIM = 128
BATCH = 16384

def setup_inputs(seed: int = 0) -> dict:
    key = jax.random.key(seed)
    k_idx, k_e1, k_e2 = jax.random.split(key, 3)
    idx = jax.random.randint(k_idx, (BATCH,), 0, NNODES, dtype=jnp.int64 if jax.config.jax_enable_x64 else jnp.int32)
    # nn.Embedding default init: N(0, 1)
    emb1 = jax.random.normal(k_e1, (NNODES, DIM), dtype=jnp.float32)
    emb2 = jax.random.normal(k_e2, (NNODES, DIM), dtype=jnp.float32)
    return {"idx": idx, "emb1": emb1, "emb2": emb2}

def reference(idx, emb1, emb2):
    out1 = jnp.take(emb1, idx, axis=0)
    out2 = jnp.take(emb2, idx, axis=0)
    return (out1, out2)

if __name__ == "__main__":
    import jax
    _d = setup_inputs()
    print(jax.jit(kernel)(*tuple(_d.values())))

</pallas_src>

<mosaic_0001>
#map = affine_map<(d0, d1) -> (0, 0, 0)>
#map1 = affine_map<(d0, d1) -> (0, 0)>
module attributes {stable_mosaic.version = 14 : i64} {
  func.func @_gather2(%arg0: i32, %arg1: i32, %arg2: memref<32x4x128xi32, #tpu.memory_space<hbm>>, %arg3: memref<100000x128xf32, #tpu.memory_space<hbm>>, %arg4: memref<100000x128xf32, #tpu.memory_space<hbm>>, %arg5: memref<16384x128xf32, #tpu.memory_space<hbm>>, %arg6: memref<16384x128xf32, #tpu.memory_space<hbm>>, %arg7: memref<4x128xi32, #tpu.memory_space<vmem>>, %arg8: memref<128x128xf32, #tpu.memory_space<vmem>>, %arg9: memref<128x128xf32, #tpu.memory_space<vmem>>, %arg10: memref<128x128xf32, #tpu.memory_space<vmem>>, %arg11: memref<128x128xf32, #tpu.memory_space<vmem>>, %arg12: memref<128x128xf32, #tpu.memory_space<vmem>>, %arg13: memref<128x128xf32, #tpu.memory_space<vmem>>, %arg14: memref<128x128xf32, #tpu.memory_space<vmem>>, %arg15: memref<!tpu.dma_semaphore, #tpu.memory_space<semaphore_mem>>, %arg16: memref<!tpu.dma_semaphore, #tpu.memory_space<semaphore_mem>>, %arg17: memref<!tpu.dma_semaphore, #tpu.memory_space<semaphore_mem>>, %arg18: memref<!tpu.dma_semaphore, #tpu.memory_space<semaphore_mem>>, %arg19: memref<!tpu.dma_semaphore, #tpu.memory_space<semaphore_mem>>, %arg20: memref<!tpu.dma_semaphore, #tpu.memory_space<semaphore_mem>>, %arg21: memref<!tpu.dma_semaphore, #tpu.memory_space<semaphore_mem>>, %arg22: memref<!tpu.dma_semaphore, #tpu.memory_space<semaphore_mem>>, %arg23: memref<!tpu.dma_semaphore, #tpu.memory_space<semaphore_mem>>, %arg24: memref<!tpu.dma_semaphore, #tpu.memory_space<semaphore_mem>>, %arg25: memref<!tpu.dma_semaphore, #tpu.memory_space<semaphore_mem>>, %arg26: memref<!tpu.dma_semaphore, #tpu.memory_space<semaphore_mem>>, %arg27: memref<!tpu.dma_semaphore, #tpu.memory_space<semaphore_mem>>, %arg28: memref<!tpu.dma_semaphore, #tpu.memory_space<semaphore_mem>>) attributes {dimension_semantics = [#tpu.dimension_semantics<core_parallel>, #tpu.dimension_semantics<subcore_parallel>], iteration_bounds = array<i64: 2, 16>, scalar_prefetch = 0 : i64, scratch_operands = 22 : i64, tpu.core_type = #tpu.core_type<sc_vector_subcore>, window_params = [{transform_indices = #map}, {transform_indices = #map1}, {transform_indices = #map1}, {transform_indices = #map1}, {transform_indices = #map1}]} {
    %mul3A = arith.constant 2 : i32
    %mul3A_0 = arith.muli %arg1, %mul3A : i32
    %add3A = arith.addi %mul3A_0, %arg0 : i32
    %mul3A_1 = arith.constant 512 : i32
    %mul3A_2 = arith.muli %add3A, %mul3A_1 : i32
    "tpu.region"() ({
      %run_scoped3A = tpu.sem_alloc : memref<!tpu.dma_semaphore, #tpu.memory_space<semaphore_mem>>
      %dma_start3A_193 = arith.constant 0 : i32
      %dma_start3A_194 = arith.constant 0 : i32
      %dma_start3A_195 = tpu.memref_slice %arg2[%add3A, %dma_start3A_193, %dma_start3A_194] : memref<32x4x128xi32, #tpu.memory_space<hbm>> -> memref<1x4x128xi32, #tpu.memory_space<hbm>>
      %dma_start3A_196 = tpu.memref_squeeze %dma_start3A_195 : memref<1x4x128xi32, #tpu.memory_space<hbm>> -> memref<4x128xi32, #tpu.memory_space<hbm>>
      %dma_start3A_197 = arith.constant 0 : i32
      %dma_start3A_198 = arith.constant 0 : i32
      %dma_start3A_199 = tpu.memref_slice %arg2[%add3A, %dma_start3A_197, %dma_start3A_198] : memref<32x4x128xi32, #tpu.memory_space<hbm>> -> memref<1x4x128xi32, #tpu.memory_space<hbm>>
      %dma_start3A_200 = tpu.memref_squeeze %dma_start3A_199 : memref<1x4x128xi32, #tpu.memory_space<hbm>> -> memref<4x128xi32, #tpu.memory_space<hbm>>
      tpu.enqueue_dma source(%dma_start3A_200 : memref<4x128xi32, #tpu.memory_space<hbm>>) target(%arg7 : memref<4x128xi32, #tpu.memory_space<vmem>>) target_semaphore(%run_scoped3A : memref<!tpu.dma_semaphore, #tpu.memory_space<semaphore_mem>>)
      %dma_wait3A_201 = arith.constant 0 : i32
      %dma_wait3A_202 = arith.constant 0 : i32
      %dma_wait3A_203 = tpu.memref_slice %arg2[%add3A, %dma_wait3A_201, %dma_wait3A_202] : memref<32x4x128xi32, #tpu.memory_space<hbm>> -> memref<1x4x128xi32, #tpu.memory_space<hbm>>
      %dma_wait3A_204 = tpu.memref_squeeze %dma_wait3A_203 : memref<1x4x128xi32, #tpu.memory_space<hbm>> -> memref<4x128xi32, #tpu.memory_space<hbm>>
      %dma_wait3A_205 = arith.constant 0 : i32
      %dma_wait3A_206 = arith.constant 0 : i32
      %dma_wait3A_207 = tpu.memref_slice %arg2[%add3A, %dma_wait3A_205, %dma_wait3A_206] : memref<32x4x128xi32, #tpu.memory_space<hbm>> -> memref<1x4x128xi32, #tpu.memory_space<hbm>>
      %dma_wait3A_208 = tpu.memref_squeeze %dma_wait3A_207 : memref<1x4x128xi32, #tpu.memory_space<hbm>> -> memref<4x128xi32, #tpu.memory_space<hbm>>
      tpu.wait_dma2 semaphore(%run_scoped3A : memref<!tpu.dma_semaphore, #tpu.memory_space<semaphore_mem>>) src(%dma_wait3A_208 : memref<4x128xi32, #tpu.memory_space<hbm>>) dst(%arg7 : memref<4x128xi32, #tpu.memory_space<vmem>>)
      tpu.yield
    }) : () -> ()
    %dma_start3A = arith.constant 0 : i32
    %dma_start3A_3 = arith.constant 0 : i32
    %dma_start3A_4 = tpu.memref_slice %arg7[%dma_start3A, %dma_start3A_3] : memref<4x128xi32, #tpu.memory_space<vmem>> -> memref<1x128xi32, #tpu.memory_space<vmem>>
    %dma_start3A_5 = tpu.memref_squeeze %dma_start3A_4 : memref<1x128xi32, #tpu.memory_space<vmem>> -> memref<128xi32, #tpu.memory_space<vmem>>
    %dma_start3A_6 = arith.constant 0 : i32
    %dma_start3A_7 = arith.constant 0 : i32
    %dma_start3A_8 = tpu.memref_slice %arg3[%dma_start3A_6, %dma_start3A_7] : memref<100000x128xf32, #tpu.memory_space<hbm>> -> memref<100000x128xf32, #tpu.memory_space<hbm>>
    tpu.enqueue_indirect_dma source(%dma_start3A_8 : memref<100000x128xf32, #tpu.memory_space<hbm>>) target(%arg8 : memref<128x128xf32, #tpu.memory_space<vmem>>) offsets(%dma_start3A_5 : memref<128xi32, #tpu.memory_space<vmem>>) semaphore(%arg15 : memref<!tpu.dma_semaphore, #tpu.memory_space<semaphore_mem>>)
    %dma_start3A_9 = arith.constant 1 : i32
    %dma_start3A_10 = arith.constant 0 : i32
    %dma_start3A_11 = tpu.memref_slice %arg7[%dma_start3A_9, %dma_start3A_10] : memref<4x128xi32, #tpu.memory_space<vmem>> -> memref<1x128xi32, #tpu.memory_space<vmem>>
    %dma_start3A_12 = tpu.memref_squeeze %dma_start3A_11 : memref<1x128xi32, #tpu.memory_space<vmem>> -> memref<128xi32, #tpu.memory_space<vmem>>
    %dma_start3A_13 = arith.constant 0 : i32
    %dma_start3A_14 = arith.constant 0 : i32
    %dma_start3A_15 = tpu.memref_slice %arg3[%dma_start3A_13, %dma_start3A_14] : memref<100000x128xf32, #tpu.memory_space<hbm>> -> memref<100000x128xf32, #tpu.memory_space<hbm>>
    tpu.enqueue_indirect_dma source(%dma_start3A_15 : memref<100000x128xf32, #tpu.memory_space<hbm>>) target(%arg9 : memref<128x128xf32, #tpu.memory_space<vmem>>) offsets(%dma_start3A_12 : memref<128xi32, #tpu.memory_space<vmem>>) semaphore(%arg16 : memref<!tpu.dma_semaphore, #tpu.memory_space<semaphore_mem>>)
    %dma_start3A_16 = arith.constant 2 : i32
    %dma_start3A_17 = arith.constant 0 : i32
    %dma_start3A_18 = tpu.memref_slice %arg7[%dma_start3A_16, %dma_start3A_17] : memref<4x128xi32, #tpu.memory_space<vmem>> -> memref<1x128xi32, #tpu.memory_space<vmem>>
    %dma_start3A_19 = tpu.memref_squeeze %dma_start3A_18 : memref<1x128xi32, #tpu.memory_space<vmem>> -> memref<128xi32, #tpu.memory_space<vmem>>
    %dma_start3A_20 = arith.constant 0 : i32
    %dma_start3A_21 = arith.constant 0 : i32
    %dma_start3A_22 = tpu.memref_slice %arg3[%dma_start3A_20, %dma_start3A_21] : memref<100000x128xf32, #tpu.memory_space<hbm>> -> memref<100000x128xf32, #tpu.memory_space<hbm>>
    tpu.enqueue_indirect_dma source(%dma_start3A_22 : memref<100000x128xf32, #tpu.memory_space<hbm>>) target(%arg10 : memref<128x128xf32, #tpu.memory_space<vmem>>) offsets(%dma_start3A_19 : memref<128xi32, #tpu.memory_space<vmem>>) semaphore(%arg17 : memref<!tpu.dma_semaphore, #tpu.memory_space<semaphore_mem>>)
    %dma_start3A_23 = arith.constant 3 : i32
    %dma_start3A_24 = arith.constant 0 : i32
    %dma_start3A_25 = tpu.memref_slice %arg7[%dma_start3A_23, %dma_start3A_24] : memref<4x128xi32, #tpu.memory_space<vmem>> -> memref<1x128xi32, #tpu.memory_space<vmem>>
    %dma_start3A_26 = tpu.memref_squeeze %dma_start3A_25 : memref<1x128xi32, #tpu.memory_space<vmem>> -> memref<128xi32, #tpu.memory_space<vmem>>
    %dma_start3A_27 = arith.constant 0 : i32
    %dma_start3A_28 = arith.constant 0 : i32
    %dma_start3A_29 = tpu.memref_slice %arg3[%dma_start3A_27, %dma_start3A_28] : memref<100000x128xf32, #tpu.memory_space<hbm>> -> memref<100000x128xf32, #tpu.memory_space<hbm>>
    tpu.enqueue_indirect_dma source(%dma_start3A_29 : memref<100000x128xf32, #tpu.memory_space<hbm>>) target(%arg11 : memref<128x128xf32, #tpu.memory_space<vmem>>) offsets(%dma_start3A_26 : memref<128xi32, #tpu.memory_space<vmem>>) semaphore(%arg18 : memref<!tpu.dma_semaphore, #tpu.memory_space<semaphore_mem>>)
    %dma_start3A_30 = arith.constant 0 : i32
    %dma_start3A_31 = arith.constant 0 : i32
    %dma_start3A_32 = tpu.memref_slice %arg7[%dma_start3A_30, %dma_start3A_31] : memref<4x128xi32, #tpu.memory_space<vmem>> -> memref<1x128xi32, #tpu.memory_space<vmem>>
    %dma_start3A_33 = tpu.memref_squeeze %dma_start3A_32 : memref<1x128xi32, #tpu.memory_space<vmem>> -> memref<128xi32, #tpu.memory_space<vmem>>
    %dma_start3A_34 = arith.constant 0 : i32
    %dma_start3A_35 = arith.constant 0 : i32
    %dma_start3A_36 = tpu.memref_slice %arg4[%dma_start3A_34, %dma_start3A_35] : memref<100000x128xf32, #tpu.memory_space<hbm>> -> memref<100000x128xf32, #tpu.memory_space<hbm>>
    tpu.enqueue_indirect_dma source(%dma_start3A_36 : memref<100000x128xf32, #tpu.memory_space<hbm>>) target(%arg12 : memref<128x128xf32, #tpu.memory_space<vmem>>) offsets(%dma_start3A_33 : memref<128xi32, #tpu.memory_space<vmem>>) semaphore(%arg19 : memref<!tpu.dma_semaphore, #tpu.memory_space<semaphore_mem>>)
    %dma_start3A_37 = arith.constant 1 : i32
    %dma_start3A_38 = arith.constant 0 : i32
    %dma_start3A_39 = tpu.memref_slice %arg7[%dma_start3A_37, %dma_start3A_38] : memref<4x128xi32, #tpu.memory_space<vmem>> -> memref<1x128xi32, #tpu.memory_space<vmem>>
    %dma_start3A_40 = tpu.memref_squeeze %dma_start3A_39 : memref<1x128xi32, #tpu.memory_space<vmem>> -> memref<128xi32, #tpu.memory_space<vmem>>
    %dma_start3A_41 = arith.constant 0 : i32
    %dma_start3A_42 = arith.constant 0 : i32
    %dma_start3A_43 = tpu.memref_slice %arg4[%dma_start3A_41, %dma_start3A_42] : memref<100000x128xf32, #tpu.memory_space<hbm>> -> memref<100000x128xf32, #tpu.memory_space<hbm>>
    tpu.enqueue_indirect_dma source(%dma_start3A_43 : memref<100000x128xf32, #tpu.memory_space<hbm>>) target(%arg13 : memref<128x128xf32, #tpu.memory_space<vmem>>) offsets(%dma_start3A_40 : memref<128xi32, #tpu.memory_space<vmem>>) semaphore(%arg20 : memref<!tpu.dma_semaphore, #tpu.memory_space<semaphore_mem>>)
    %dma_start3A_44 = arith.constant 2 : i32
    %dma_start3A_45 = arith.constant 0 : i32
    %dma_start3A_46 = tpu.memref_slice %arg7[%dma_start3A_44, %dma_start3A_45] : memref<4x128xi32, #tpu.memory_space<vmem>> -> memref<1x128xi32, #tpu.memory_space<vmem>>
    %dma_start3A_47 = tpu.memref_squeeze %dma_start3A_46 : memref<1x128xi32, #tpu.memory_space<vmem>> -> memref<128xi32, #tpu.memory_space<vmem>>
    %dma_start3A_48 = arith.constant 0 : i32
    %dma_start3A_49 = arith.constant 0 : i32
    %dma_start3A_50 = tpu.memref_slice %arg4[%dma_start3A_48, %dma_start3A_49] : memref<100000x128xf32, #tpu.memory_space<hbm>> -> memref<100000x128xf32, #tpu.memory_space<hbm>>
    tpu.enqueue_indirect_dma source(%dma_start3A_50 : memref<100000x128xf32, #tpu.memory_space<hbm>>) target(%arg14 : memref<128x128xf32, #tpu.memory_space<vmem>>) offsets(%dma_start3A_47 : memref<128xi32, #tpu.memory_space<vmem>>) semaphore(%arg21 : memref<!tpu.dma_semaphore, #tpu.memory_space<semaphore_mem>>)
    %dma_wait3A = arith.constant 0 : i32
    %dma_wait3A_51 = arith.constant 0 : i32
    %dma_wait3A_52 = tpu.memref_slice %arg7[%dma_wait3A, %dma_wait3A_51] : memref<4x128xi32, #tpu.memory_space<vmem>> -> memref<1x128xi32, #tpu.memory_space<vmem>>
    %dma_wait3A_53 = tpu.memref_squeeze %dma_wait3A_52 : memref<1x128xi32, #tpu.memory_space<vmem>> -> memref<128xi32, #tpu.memory_space<vmem>>
    %dma_wait3A_54 = arith.constant 0 : i32
    %dma_wait3A_55 = arith.constant 0 : i32
    %dma_wait3A_56 = tpu.memref_slice %arg3[%dma_wait3A_54, %dma_wait3A_55] : memref<100000x128xf32, #tpu.memory_space<hbm>> -> memref<100000x128xf32, #tpu.memory_space<hbm>>
    tpu.wait_indirect_dma semaphore(%arg15 : memref<!tpu.dma_semaphore, #tpu.memory_space<semaphore_mem>>) src(%dma_wait3A_56 : memref<100000x128xf32, #tpu.memory_space<hbm>>) dst(%arg8 : memref<128x128xf32, #tpu.memory_space<vmem>>)
    %add3A_57 = arith.constant 0 : i32
    %add3A_58 = arith.addi %mul3A_2, %add3A_57 : i32
    %dma_start3A_59 = arith.constant 0 : i32
    %dma_start3A_60 = tpu.memref_slice %arg5[%add3A_58, %dma_start3A_59] : memref<16384x128xf32, #tpu.memory_space<hbm>> -> memref<128x128xf32, #tpu.memory_space<hbm>>
    %dma_start3A_61 = arith.constant 0 : i32
    %dma_start3A_62 = tpu.memref_slice %arg5[%add3A_58, %dma_start3A_61] : memref<16384x128xf32, #tpu.memory_space<hbm>> -> memref<128x128xf32, #tpu.memory_space<hbm>>
    tpu.enqueue_dma source(%arg8 : memref<128x128xf32, #tpu.memory_space<vmem>>) target(%dma_start3A_62 : memref<128x128xf32, #tpu.memory_space<hbm>>) target_semaphore(%arg22 : memref<!tpu.dma_semaphore, #tpu.memory_space<semaphore_mem>>)
    %dma_wait3A_63 = arith.constant 0 : i32
    %dma_wait3A_64 = tpu.memref_slice %arg5[%add3A_58, %dma_wait3A_63] : memref<16384x128xf32, #tpu.memory_space<hbm>> -> memref<128x128xf32, #tpu.memory_space<hbm>>
    %dma_wait3A_65 = arith.constant 0 : i32
    %dma_wait3A_66 = tpu.memref_slice %arg5[%add3A_58, %dma_wait3A_65] : memref<16384x128xf32, #tpu.memory_space<hbm>> -> memref<128x128xf32, #tpu.memory_space<hbm>>
    tpu.wait_dma2 semaphore(%arg22 : memref<!tpu.dma_semaphore, #tpu.memory_space<semaphore_mem>>) src(%arg8 : memref<128x128xf32, #tpu.memory_space<vmem>>) dst(%dma_wait3A_66 : memref<128x128xf32, #tpu.memory_space<hbm>>)
    %dma_start3A_67 = arith.constant 3 : i32
    %dma_start3A_68 = arith.constant 0 : i32
    %dma_start3A_69 = tpu.memref_slice %arg7[%dma_start3A_67, %dma_start3A_68] : memref<4x128xi32, #tpu.memory_space<vmem>> -> memref<1x128xi32, #tpu.memory_space<vmem>>
    %dma_start3A_70 = tpu.memref_squeeze %dma_start3A_69 : memref<1x128xi32, #tpu.memory_space<vmem>> -> memref<128xi32, #tpu.memory_space<vmem>>
    %dma_start3A_71 = arith.constant 0 : i32
    %dma_start3A_72 = arith.constant 0 : i32
    %dma_start3A_73 = tpu.memref_slice %arg4[%dma_start3A_71, %dma_start3A_72] : memref<100000x128xf32, #tpu.memory_space<hbm>> -> memref<100000x128xf32, #tpu.memory_space<hbm>>
    tpu.enqueue_indirect_dma source(%dma_start3A_73 : memref<100000x128xf32, #tpu.memory_space<hbm>>) target(%arg8 : memref<128x128xf32, #tpu.memory_space<vmem>>) offsets(%dma_start3A_70 : memref<128xi32, #tpu.memory_space<vmem>>) semaphore(%arg15 : memref<!tpu.dma_semaphore, #tpu.memory_space<semaphore_mem>>)
    %dma_wait3A_74 = arith.constant 1 : i32
    %dma_wait3A_75 = arith.constant 0 : i32
    %dma_wait3A_76 = tpu.memref_slice %arg7[%dma_wait3A_74, %dma_wait3A_75] : memref<4x128xi32, #tpu.memory_space<vmem>> -> memref<1x128xi32, #tpu.memory_space<vmem>>
    %dma_wait3A_77 = tpu.memref_squeeze %dma_wait3A_76 : memref<1x128xi32, #tpu.memory_space<vmem>> -> memref<128xi32, #tpu.memory_space<vmem>>
    %dma_wait3A_78 = arith.constant 0 : i32
    %dma_wait3A_79 = arith.constant 0 : i32
    %dma_wait3A_80 = tpu.memref_slice %arg3[%dma_wait3A_78, %dma_wait3A_79] : memref<100000x128xf32, #tpu.memory_space<hbm>> -> memref<100000x128xf32, #tpu.memory_space<hbm>>
    tpu.wait_indirect_dma semaphore(%arg16 : memref<!tpu.dma_semaphore, #tpu.memory_space<semaphore_mem>>) src(%dma_wait3A_80 : memref<100000x128xf32, #tpu.memory_space<hbm>>) dst(%arg9 : memref<128x128xf32, #tpu.memory_space<vmem>>)
    %add3A_81 = arith.constant 128 : i32
    %add3A_82 = arith.addi %mul3A_2, %add3A_81 : i32
    %dma_start3A_83 = arith.constant 0 : i32
    %dma_start3A_84 = tpu.memref_slice %arg5[%add3A_82, %dma_start3A_83] : memref<16384x128xf32, #tpu.memory_space<hbm>> -> memref<128x128xf32, #tpu.memory_space<hbm>>
    %dma_start3A_85 = arith.constant 0 : i32
    %dma_start3A_86 = tpu.memref_slice %arg5[%add3A_82, %dma_start3A_85] : memref<16384x128xf32, #tpu.memory_space<hbm>> -> memref<128x128xf32, #tpu.memory_space<hbm>>
    tpu.enqueue_dma source(%arg9 : memref<128x128xf32, #tpu.memory_space<vmem>>) target(%dma_start3A_86 : memref<128x128xf32, #tpu.memory_space<hbm>>) target_semaphore(%arg23 : memref<!tpu.dma_semaphore, #tpu.memory_space<semaphore_mem>>)
    %dma_wait3A_87 = arith.constant 2 : i32
    %dma_wait3A_88 = arith.constant 0 : i32
    %dma_wait3A_89 = tpu.memref_slice %arg7[%dma_wait3A_87, %dma_wait3A_88] : memref<4x128xi32, #tpu.memory_space<vmem>> -> memref<1x128xi32, #tpu.memory_space<vmem>>
    %dma_wait3A_90 = tpu.memref_squeeze %dma_wait3A_89 : memref<1x128xi32, #tpu.memory_space<vmem>> -> memref<128xi32, #tpu.memory_space<vmem>>
    %dma_wait3A_91 = arith.constant 0 : i32
    %dma_wait3A_92 = arith.constant 0 : i32
    %dma_wait3A_93 = tpu.memref_slice %arg3[%dma_wait3A_91, %dma_wait3A_92] : memref<100000x128xf32, #tpu.memory_space<hbm>> -> memref<100000x128xf32, #tpu.memory_space<hbm>>
    tpu.wait_indirect_dma semaphore(%arg17 : memref<!tpu.dma_semaphore, #tpu.memory_space<semaphore_mem>>) src(%dma_wait3A_93 : memref<100000x128xf32, #tpu.memory_space<hbm>>) dst(%arg10 : memref<128x128xf32, #tpu.memory_space<vmem>>)
    %add3A_94 = arith.constant 256 : i32
    %add3A_95 = arith.addi %mul3A_2, %add3A_94 : i32
    %dma_start3A_96 = arith.constant 0 : i32
    %dma_start3A_97 = tpu.memref_slice %arg5[%add3A_95, %dma_start3A_96] : memref<16384x128xf32, #tpu.memory_space<hbm>> -> memref<128x128xf32, #tpu.memory_space<hbm>>
    %dma_start3A_98 = arith.constant 0 : i32
    %dma_start3A_99 = tpu.memref_slice %arg5[%add3A_95, %dma_start3A_98] : memref<16384x128xf32, #tpu.memory_space<hbm>> -> memref<128x128xf32, #tpu.memory_space<hbm>>
    tpu.enqueue_dma source(%arg10 : memref<128x128xf32, #tpu.memory_space<vmem>>) target(%dma_start3A_99 : memref<128x128xf32, #tpu.memory_space<hbm>>) target_semaphore(%arg24 : memref<!tpu.dma_semaphore, #tpu.memory_space<semaphore_mem>>)
    %dma_wait3A_100 = arith.constant 3 : i32
    %dma_wait3A_101 = arith.constant 0 : i32
    %dma_wait3A_102 = tpu.memref_slice %arg7[%dma_wait3A_100, %dma_wait3A_101] : memref<4x128xi32, #tpu.memory_space<vmem>> -> memref<1x128xi32, #tpu.memory_space<vmem>>
    %dma_wait3A_103 = tpu.memref_squeeze %dma_wait3A_102 : memref<1x128xi32, #tpu.memory_space<vmem>> -> memref<128xi32, #tpu.memory_space<vmem>>
    %dma_wait3A_104 = arith.constant 0 : i32
    %dma_wait3A_105 = arith.constant 0 : i32
    %dma_wait3A_106 = tpu.memref_slice %arg3[%dma_wait3A_104, %dma_wait3A_105] : memref<100000x128xf32, #tpu.memory_space<hbm>> -> memref<100000x128xf32, #tpu.memory_space<hbm>>
    tpu.wait_indirect_dma semaphore(%arg18 : memref<!tpu.dma_semaphore, #tpu.memory_space<semaphore_mem>>) src(%dma_wait3A_106 : memref<100000x128xf32, #tpu.memory_space<hbm>>) dst(%arg11 : memref<128x128xf32, #tpu.memory_space<vmem>>)
    %add3A_107 = arith.constant 384 : i32
    %add3A_108 = arith.addi %mul3A_2, %add3A_107 : i32
    %dma_start3A_109 = arith.constant 0 : i32
    %dma_start3A_110 = tpu.memref_slice %arg5[%add3A_108, %dma_start3A_109] : memref<16384x128xf32, #tpu.memory_space<hbm>> -> memref<128x128xf32, #tpu.memory_space<hbm>>
    %dma_start3A_111 = arith.constant 0 : i32
    %dma_start3A_112 = tpu.memref_slice %arg5[%add3A_108, %dma_start3A_111] : memref<16384x128xf32, #tpu.memory_space<hbm>> -> memref<128x128xf32, #tpu.memory_space<hbm>>
    tpu.enqueue_dma source(%arg11 : memref<128x128xf32, #tpu.memory_space<vmem>>) target(%dma_start3A_112 : memref<128x128xf32, #tpu.memory_space<hbm>>) target_semaphore(%arg25 : memref<!tpu.dma_semaphore, #tpu.memory_space<semaphore_mem>>)
    %dma_wait3A_113 = arith.constant 0 : i32
    %dma_wait3A_114 = arith.constant 0 : i32
    %dma_wait3A_115 = tpu.memref_slice %arg7[%dma_wait3A_113, %dma_wait3A_114] : memref<4x128xi32, #tpu.memory_space<vmem>> -> memref<1x128xi32, #tpu.memory_space<vmem>>
    %dma_wait3A_116 = tpu.memref_squeeze %dma_wait3A_115 : memref<1x128xi32, #tpu.memory_space<vmem>> -> memref<128xi32, #tpu.memory_space<vmem>>
    %dma_wait3A_117 = arith.constant 0 : i32
    %dma_wait3A_118 = arith.constant 0 : i32
    %dma_wait3A_119 = tpu.memref_slice %arg4[%dma_wait3A_117, %dma_wait3A_118] : memref<100000x128xf32, #tpu.memory_space<hbm>> -> memref<100000x128xf32, #tpu.memory_space<hbm>>
    tpu.wait_indirect_dma semaphore(%arg19 : memref<!tpu.dma_semaphore, #tpu.memory_space<semaphore_mem>>) src(%dma_wait3A_119 : memref<100000x128xf32, #tpu.memory_space<hbm>>) dst(%arg12 : memref<128x128xf32, #tpu.memory_space<vmem>>)
    %add3A_120 = arith.constant 0 : i32
    %add3A_121 = arith.addi %mul3A_2, %add3A_120 : i32
    %dma_start3A_122 = arith.constant 0 : i32
    %dma_start3A_123 = tpu.memref_slice %arg6[%add3A_121, %dma_start3A_122] : memref<16384x128xf32, #tpu.memory_space<hbm>> -> memref<128x128xf32, #tpu.memory_space<hbm>>
    %dma_start3A_124 = arith.constant 0 : i32
    %dma_start3A_125 = tpu.memref_slice %arg6[%add3A_121, %dma_start3A_124] : memref<16384x128xf32, #tpu.memory_space<hbm>> -> memref<128x128xf32, #tpu.memory_space<hbm>>
    tpu.enqueue_dma source(%arg12 : memref<128x128xf32, #tpu.memory_space<vmem>>) target(%dma_start3A_125 : memref<128x128xf32, #tpu.memory_space<hbm>>) target_semaphore(%arg26 : memref<!tpu.dma_semaphore, #tpu.memory_space<semaphore_mem>>)
    %dma_wait3A_126 = arith.constant 1 : i32
    %dma_wait3A_127 = arith.constant 0 : i32
    %dma_wait3A_128 = tpu.memref_slice %arg7[%dma_wait3A_126, %dma_wait3A_127] : memref<4x128xi32, #tpu.memory_space<vmem>> -> memref<1x128xi32, #tpu.memory_space<vmem>>
    %dma_wait3A_129 = tpu.memref_squeeze %dma_wait3A_128 : memref<1x128xi32, #tpu.memory_space<vmem>> -> memref<128xi32, #tpu.memory_space<vmem>>
    %dma_wait3A_130 = arith.constant 0 : i32
    %dma_wait3A_131 = arith.constant 0 : i32
    %dma_wait3A_132 = tpu.memref_slice %arg4[%dma_wait3A_130, %dma_wait3A_131] : memref<100000x128xf32, #tpu.memory_space<hbm>> -> memref<100000x128xf32, #tpu.memory_space<hbm>>
    tpu.wait_indirect_dma semaphore(%arg20 : memref<!tpu.dma_semaphore, #tpu.memory_space<semaphore_mem>>) src(%dma_wait3A_132 : memref<100000x128xf32, #tpu.memory_space<hbm>>) dst(%arg13 : memref<128x128xf32, #tpu.memory_space<vmem>>)
    %add3A_133 = arith.constant 128 : i32
    %add3A_134 = arith.addi %mul3A_2, %add3A_133 : i32
    %dma_start3A_135 = arith.constant 0 : i32
    %dma_start3A_136 = tpu.memref_slice %arg6[%add3A_134, %dma_start3A_135] : memref<16384x128xf32, #tpu.memory_space<hbm>> -> memref<128x128xf32, #tpu.memory_space<hbm>>
    %dma_start3A_137 = arith.constant 0 : i32
    %dma_start3A_138 = tpu.memref_slice %arg6[%add3A_134, %dma_start3A_137] : memref<16384x128xf32, #tpu.memory_space<hbm>> -> memref<128x128xf32, #tpu.memory_space<hbm>>
    tpu.enqueue_dma source(%arg13 : memref<128x128xf32, #tpu.memory_space<vmem>>) target(%dma_start3A_138 : memref<128x128xf32, #tpu.memory_space<hbm>>) target_semaphore(%arg27 : memref<!tpu.dma_semaphore, #tpu.memory_space<semaphore_mem>>)
    %dma_wait3A_139 = arith.constant 2 : i32
    %dma_wait3A_140 = arith.constant 0 : i32
    %dma_wait3A_141 = tpu.memref_slice %arg7[%dma_wait3A_139, %dma_wait3A_140] : memref<4x128xi32, #tpu.memory_space<vmem>> -> memref<1x128xi32, #tpu.memory_space<vmem>>
    %dma_wait3A_142 = tpu.memref_squeeze %dma_wait3A_141 : memref<1x128xi32, #tpu.memory_space<vmem>> -> memref<128xi32, #tpu.memory_space<vmem>>
    %dma_wait3A_143 = arith.constant 0 : i32
    %dma_wait3A_144 = arith.constant 0 : i32
    %dma_wait3A_145 = tpu.memref_slice %arg4[%dma_wait3A_143, %dma_wait3A_144] : memref<100000x128xf32, #tpu.memory_space<hbm>> -> memref<100000x128xf32, #tpu.memory_space<hbm>>
    tpu.wait_indirect_dma semaphore(%arg21 : memref<!tpu.dma_semaphore, #tpu.memory_space<semaphore_mem>>) src(%dma_wait3A_145 : memref<100000x128xf32, #tpu.memory_space<hbm>>) dst(%arg14 : memref<128x128xf32, #tpu.memory_space<vmem>>)
    %add3A_146 = arith.constant 256 : i32
    %add3A_147 = arith.addi %mul3A_2, %add3A_146 : i32
    %dma_start3A_148 = arith.constant 0 : i32
    %dma_start3A_149 = tpu.memref_slice %arg6[%add3A_147, %dma_start3A_148] : memref<16384x128xf32, #tpu.memory_space<hbm>> -> memref<128x128xf32, #tpu.memory_space<hbm>>
    %dma_start3A_150 = arith.constant 0 : i32
    %dma_start3A_151 = tpu.memref_slice %arg6[%add3A_147, %dma_start3A_150] : memref<16384x128xf32, #tpu.memory_space<hbm>> -> memref<128x128xf32, #tpu.memory_space<hbm>>
    tpu.enqueue_dma source(%arg14 : memref<128x128xf32, #tpu.memory_space<vmem>>) target(%dma_start3A_151 : memref<128x128xf32, #tpu.memory_space<hbm>>) target_semaphore(%arg28 : memref<!tpu.dma_semaphore, #tpu.memory_space<semaphore_mem>>)
    %dma_wait3A_152 = arith.constant 3 : i32
    %dma_wait3A_153 = arith.constant 0 : i32
    %dma_wait3A_154 = tpu.memref_slice %arg7[%dma_wait3A_152, %dma_wait3A_153] : memref<4x128xi32, #tpu.memory_space<vmem>> -> memref<1x128xi32, #tpu.memory_space<vmem>>
    %dma_wait3A_155 = tpu.memref_squeeze %dma_wait3A_154 : memref<1x128xi32, #tpu.memory_space<vmem>> -> memref<128xi32, #tpu.memory_space<vmem>>
    %dma_wait3A_156 = arith.constant 0 : i32
    %dma_wait3A_157 = arith.constant 0 : i32
    %dma_wait3A_158 = tpu.memref_slice %arg4[%dma_wait3A_156, %dma_wait3A_157] : memref<100000x128xf32, #tpu.memory_space<hbm>> -> memref<100000x128xf32, #tpu.memory_space<hbm>>
    tpu.wait_indirect_dma semaphore(%arg15 : memref<!tpu.dma_semaphore, #tpu.memory_space<semaphore_mem>>) src(%dma_wait3A_158 : memref<100000x128xf32, #tpu.memory_space<hbm>>) dst(%arg8 : memref<128x128xf32, #tpu.memory_space<vmem>>)
    %add3A_159 = arith.constant 384 : i32
    %add3A_160 = arith.addi %mul3A_2, %add3A_159 : i32
    %dma_start3A_161 = arith.constant 0 : i32
    %dma_start3A_162 = tpu.memref_slice %arg6[%add3A_160, %dma_start3A_161] : memref<16384x128xf32, #tpu.memory_space<hbm>> -> memref<128x128xf32, #tpu.memory_space<hbm>>
    %dma_start3A_163 = arith.constant 0 : i32
    %dma_start3A_164 = tpu.memref_slice %arg6[%add3A_160, %dma_start3A_163] : memref<16384x128xf32, #tpu.memory_space<hbm>> -> memref<128x128xf32, #tpu.memory_space<hbm>>
    tpu.enqueue_dma source(%arg8 : memref<128x128xf32, #tpu.memory_space<vmem>>) target(%dma_start3A_164 : memref<128x128xf32, #tpu.memory_space<hbm>>) target_semaphore(%arg22 : memref<!tpu.dma_semaphore, #tpu.memory_space<semaphore_mem>>)
    %dma_wait3A_165 = arith.constant 0 : i32
    %dma_wait3A_166 = tpu.memref_slice %arg5[%add3A_82, %dma_wait3A_165] : memref<16384x128xf32, #tpu.memory_space<hbm>> -> memref<128x128xf32, #tpu.memory_space<hbm>>
    %dma_wait3A_167 = arith.constant 0 : i32
    %dma_wait3A_168 = tpu.memref_slice %arg5[%add3A_82, %dma_wait3A_167] : memref<16384x128xf32, #tpu.memory_space<hbm>> -> memref<128x128xf32, #tpu.memory_space<hbm>>
    tpu.wait_dma2 semaphore(%arg23 : memref<!tpu.dma_semaphore, #tpu.memory_space<semaphore_mem>>) src(%arg9 : memref<128x128xf32, #tpu.memory_space<vmem>>) dst(%dma_wait3A_168 : memref<128x128xf32, #tpu.memory_space<hbm>>)
    %dma_wait3A_169 = arith.constant 0 : i32
    %dma_wait3A_170 = tpu.memref_slice %arg5[%add3A_95, %dma_wait3A_169] : memref<16384x128xf32, #tpu.memory_space<hbm>> -> memref<128x128xf32, #tpu.memory_space<hbm>>
    %dma_wait3A_171 = arith.constant 0 : i32
    %dma_wait3A_172 = tpu.memref_slice %arg5[%add3A_95, %dma_wait3A_171] : memref<16384x128xf32, #tpu.memory_space<hbm>> -> memref<128x128xf32, #tpu.memory_space<hbm>>
    tpu.wait_dma2 semaphore(%arg24 : memref<!tpu.dma_semaphore, #tpu.memory_space<semaphore_mem>>) src(%arg10 : memref<128x128xf32, #tpu.memory_space<vmem>>) dst(%dma_wait3A_172 : memref<128x128xf32, #tpu.memory_space<hbm>>)
    %dma_wait3A_173 = arith.constant 0 : i32
    %dma_wait3A_174 = tpu.memref_slice %arg5[%add3A_108, %dma_wait3A_173] : memref<16384x128xf32, #tpu.memory_space<hbm>> -> memref<128x128xf32, #tpu.memory_space<hbm>>
    %dma_wait3A_175 = arith.constant 0 : i32
    %dma_wait3A_176 = tpu.memref_slice %arg5[%add3A_108, %dma_wait3A_175] : memref<16384x128xf32, #tpu.memory_space<hbm>> -> memref<128x128xf32, #tpu.memory_space<hbm>>
    tpu.wait_dma2 semaphore(%arg25 : memref<!tpu.dma_semaphore, #tpu.memory_space<semaphore_mem>>) src(%arg11 : memref<128x128xf32, #tpu.memory_space<vmem>>) dst(%dma_wait3A_176 : memref<128x128xf32, #tpu.memory_space<hbm>>)
    %dma_wait3A_177 = arith.constant 0 : i32
    %dma_wait3A_178 = tpu.memref_slice %arg6[%add3A_121, %dma_wait3A_177] : memref<16384x128xf32, #tpu.memory_space<hbm>> -> memref<128x128xf32, #tpu.memory_space<hbm>>
    %dma_wait3A_179 = arith.constant 0 : i32
    %dma_wait3A_180 = tpu.memref_slice %arg6[%add3A_121, %dma_wait3A_179] : memref<16384x128xf32, #tpu.memory_space<hbm>> -> memref<128x128xf32, #tpu.memory_space<hbm>>
    tpu.wait_dma2 semaphore(%arg26 : memref<!tpu.dma_semaphore, #tpu.memory_space<semaphore_mem>>) src(%arg12 : memref<128x128xf32, #tpu.memory_space<vmem>>) dst(%dma_wait3A_180 : memref<128x128xf32, #tpu.memory_space<hbm>>)
    %dma_wait3A_181 = arith.constant 0 : i32
    %dma_wait3A_182 = tpu.memref_slice %arg6[%add3A_134, %dma_wait3A_181] : memref<16384x128xf32, #tpu.memory_space<hbm>> -> memref<128x128xf32, #tpu.memory_space<hbm>>
    %dma_wait3A_183 = arith.constant 0 : i32
    %dma_wait3A_184 = tpu.memref_slice %arg6[%add3A_134, %dma_wait3A_183] : memref<16384x128xf32, #tpu.memory_space<hbm>> -> memref<128x128xf32, #tpu.memory_space<hbm>>
    tpu.wait_dma2 semaphore(%arg27 : memref<!tpu.dma_semaphore, #tpu.memory_space<semaphore_mem>>) src(%arg13 : memref<128x128xf32, #tpu.memory_space<vmem>>) dst(%dma_wait3A_184 : memref<128x128xf32, #tpu.memory_space<hbm>>)
    %dma_wait3A_185 = arith.constant 0 : i32
    %dma_wait3A_186 = tpu.memref_slice %arg6[%add3A_147, %dma_wait3A_185] : memref<16384x128xf32, #tpu.memory_space<hbm>> -> memref<128x128xf32, #tpu.memory_space<hbm>>
    %dma_wait3A_187 = arith.constant 0 : i32
    %dma_wait3A_188 = tpu.memref_slice %arg6[%add3A_147, %dma_wait3A_187] : memref<16384x128xf32, #tpu.memory_space<hbm>> -> memref<128x128xf32, #tpu.memory_space<hbm>>
    tpu.wait_dma2 semaphore(%arg28 : memref<!tpu.dma_semaphore, #tpu.memory_space<semaphore_mem>>) src(%arg14 : memref<128x128xf32, #tpu.memory_space<vmem>>) dst(%dma_wait3A_188 : memref<128x128xf32, #tpu.memory_space<hbm>>)
    %dma_wait3A_189 = arith.constant 0 : i32
    %dma_wait3A_190 = tpu.memref_slice %arg6[%add3A_160, %dma_wait3A_189] : memref<16384x128xf32, #tpu.memory_space<hbm>> -> memref<128x128xf32, #tpu.memory_space<hbm>>
    %dma_wait3A_191 = arith.constant 0 : i32
    %dma_wait3A_192 = tpu.memref_slice %arg6[%add3A_160, %dma_wait3A_191] : memref<16384x128xf32, #tpu.memory_space<hbm>> -> memref<128x128xf32, #tpu.memory_space<hbm>>
    tpu.wait_dma2 semaphore(%arg22 : memref<!tpu.dma_semaphore, #tpu.memory_space<semaphore_mem>>) src(%arg8 : memref<128x128xf32, #tpu.memory_space<vmem>>) dst(%dma_wait3A_192 : memref<128x128xf32, #tpu.memory_space<hbm>>)
    return
  }
}

</mosaic_0001>

<sc_bundles>
// kernel: kernel.3.cloned.1.call-start
scs
__scs_entry_jumppad:
0x0: {  	(pc) =	sbr.rel $0x88, $3  }
0x1: {  	(tag) =	ssettag $0x0;
	lr =	simm.s32 $0x1  }
0x2: {  	[smem:$0x3F9E] =	sst lr;
	_ =	strace $0xD0000000  }
0x3: {  	_ = 	snop  }
0x4: {  	_ = 	snop  }
0x5: {  	_ = 	snop  }
0x6: {  	_ = 	snop  }
0x7: {  	_ = 	snop  }
__scs_overlays_trampoline_lowered:
0x8: {  	[smem:$0x3FAD] =	sst s0  }
0x9: {  	[smem:$0x3FAE] =	sst s1  }
0xa: {  	[smem:$0x3FAF] =	sst s2  }
0xb: {  	[smem:$0x3FB0] =	sst s3  }
0xc: {  	[smem:$0x3FB1] =	sst s4  }
0xd: {  	[smem:$0x3FB2] =	sst s5  }
0xe: {  	[smem:$0x3FB3] =	sst s6  }
0xf: {  	[smem:$0x3FB4] =	sst s7  }
0x10: {  	[smem:$0x3FB5] =	sst s8  }
0x11: {  	[smem:$0x3FB6] =	sst s9;
	s0 =	simm.s32 @!p0 $0x0  }
0x12: {  	s1 =	sld [smem:$0x3F9C];
	s0 =	simm.s32 @p0 $0x1  }
0x13: {  	[smem:$0x3FB7] =	sst s0;
	s0 =	simm.s32 @!p1 $0x0  }
0x14: {  	s2 =	sld [smem:$0x3F9B];
	s0 =	simm.s32 @p1 $0x1  }
0x15: {  	[smem:$0x3FB8] =	sst s0;
	s0 =	simm.s32 @!p2 $0x0  }
0x16: {  	s3 =	sld [smem:$0x3FDB];
	s0 =	simm.s32 @p2 $0x1  }
0x17: {  	s4 =	simm.s32 $0x1BF5;
	[smem:$0x3FBA] =	sst s0  }
0x18: {  	s0 =	sld [smem:$0x3F9D];
	_ =	swait.ge [sflag:s4], $0x0  }
0x19: {  	s7 =	sld [smem:$0x3F9E]  }
0x1a: {  	s8 =	sadd.s32 $0xFFFFE003, lr  }
0x1b: {  	s9 =	sadd.s32 $0xFFFFFEF7, lr;
	s5 =	simm.s32 $0xFFFFFFFF;
	p2 =	slt.u32 s8, $0xFFFFF086  }
0x1c: {  	p1 =	slt.u32 s9, $0xF7A;
	s5 =	simm.s32 @!p2 $0x0  }
0x1d: {  	s5 =	simm.s32 @p1 $0x1;
	p0 =	seq.s32 s7, s2  }
0x1e: {  	s7 =	smul.u32 @!p0 $0xF7A, s2;
	p2 =	seq.s32 @!p0 s5, $0x0  }
0x1f: {  	s9 =	smul.u32 $0xF7A, s1;
	s8 =	simm.s32 @!p0 $0x1BF5;
	p2 =	por !p2, p0  }
0x20: {  	[sflag:s8] =	ssyncset.s32 @!p0 $0xFFFFF086;
	s6 =	sadd.s32 @!p0 s3, s7;
	s7 =	simm.s32 @!p0 $0x108  }
0x21: {  	s3 =	sadd.s32 s3, s9;
	s6 =	sadd.s32 @!p0 $0x88, s6;
	s7 =	simm.s32 @p2 $0x1082  }
0x22: {  	[simem:s7], [sflag:s8] =	dma.local @!p0 [hbm:s6], $0xF7A  }
0x23: {  	s9 =	sor.u32 $0xD0000000, s2;
	s6 =	simm.s32 $0x108;
	_ =	swait.ge @!p0 [sflag:s8], $0x0  }
0x24: {  	s3 =	sadd.s32 $0x88, s3;
	s6 =	simm.s32 @!p1 $0x1082;
	[sflag:s4] =	ssyncset.s32 $0xFFFFF086  }
0x25: {  	[simem:s6], [sflag:s4] =	dma.local [hbm:s3], $0xF7A  }
0x26: {  	[smem:$0x3F9E] =	sst s1;
	(tag) =	ssettag s2;
	_ =	strace s9  }
0x27: {  	s1 =	sld [smem:$0x3FAE]  }
0x28: {  	s2 =	sld [smem:$0x3FAF]  }
0x29: {  	s4 =	sld [smem:$0x3FB1]  }
0x2a: {  	p0 =	seq.s32 s5, $0x0;
	s5 =	sld [smem:$0x3FB2]  }
0x2b: {  	s6 =	sld [smem:$0x3FB3]  }
0x2c: {  	s7 =	sld [smem:$0x3FB4]  }
0x2d: {  	s3 =	simm.s32 $0x108;
	s8 =	sld [smem:$0x3FB5]  }
0x2e: {  	s3 =	simm.s32 @!p0 $0x1082;
	s9 =	sld [smem:$0x3FB6]  }
0x2f: {  	lr =	sadd.s32 s0, s3;
	s0 =	sld [smem:$0x3FAD]  }
0x30: {  	s3 =	sld [smem:$0x3FB0]  }
0x31: {  	[smem:$0x3FB9] =	sst s10  }
0x32: {  	s10 =	sld [smem:$0x3FB7];
	_ =	sdelay $0x3  }
0x33: {  	p0 =	seq.s32 s10, $0x1;
	s10 =	sld [smem:$0x3FB9];
	_ =	sdelay $0x3  }
0x34: {  	[smem:$0x3FB9] =	sst s10  }
0x35: {  	s10 =	sld [smem:$0x3FB8];
	_ =	sdelay $0x3  }
0x36: {  	p1 =	seq.s32 s10, $0x1;
	s10 =	sld [smem:$0x3FB9];
	_ =	sdelay $0x3  }
0x37: {  	[smem:$0x3FB9] =	sst s10  }
0x38: {  	s10 =	sld [smem:$0x3FBA]  }
0x39: {  	_ = 	snop;
	(pc) =	sbr.ind lr, $3  }
0x3a: {  	_ = 	snop  }
0x3b: {  	_ = 	snop  }
0x3c: {  	p2 =	seq.s32 s10, $0x1;
	s10 =	sld [smem:$0x3FB9]  }
0x3d: {  	_ =	shalt  }
0x3e: {  	_ =	shalt  }
0x3f: {  	_ =	shalt  }
0x40: {  	_ =	shalt  }
0x41: {  	_ =	shalt  }
0x42: {  	_ =	shalt  }
0x43: {  	_ =	shalt  }
0x44: {  	_ =	shalt  }
0x45: {  	_ =	shalt  }
0x46: {  	_ =	shalt  }
0x47: {  	_ =	shalt  }
0x48: {  	_ =	shalt  }
0x49: {  	_ =	shalt  }
0x4a: {  	_ =	shalt  }
0x4b: {  	_ =	shalt  }
0x4c: {  	_ =	shalt  }
0x4d: {  	_ =	shalt  }
0x4e: {  	_ =	shalt  }
0x4f: {  	_ =	shalt  }
0x50: {  	_ =	shalt  }
0x51: {  	_ =	shalt  }
0x52: {  	_ =	shalt  }
0x53: {  	_ =	shalt  }
0x54: {  	_ =	shalt  }
0x55: {  	_ =	shalt  }
0x56: {  	_ =	shalt  }
0x57: {  	_ =	shalt  }
0x58: {  	_ =	shalt  }
0x59: {  	_ =	shalt  }
0x5a: {  	_ =	shalt  }
0x5b: {  	_ =	shalt  }
0x5c: {  	_ =	shalt  }
0x5d: {  	_ =	shalt  }
0x5e: {  	_ =	shalt  }
0x5f: {  	_ =	shalt  }
0x60: {  	_ =	shalt  }
0x61: {  	_ =	shalt  }
0x62: {  	_ =	shalt  }
0x63: {  	_ =	shalt  }
0x64: {  	_ =	shalt  }
0x65: {  	_ =	shalt  }
0x66: {  	_ =	shalt  }
0x67: {  	_ =	shalt  }
0x68: {  	_ =	shalt  }
0x69: {  	_ =	shalt  }
0x6a: {  	_ =	shalt  }
0x6b: {  	_ =	shalt  }
0x6c: {  	_ =	shalt  }
0x6d: {  	_ =	shalt  }
0x6e: {  	_ =	shalt  }
0x6f: {  	_ =	shalt  }
0x70: {  	_ =	shalt  }
0x71: {  	_ =	shalt  }
0x72: {  	_ =	shalt  }
0x73: {  	_ =	shalt  }
0x74: {  	_ =	shalt  }
0x75: {  	_ =	shalt  }
0x76: {  	_ =	shalt  }
0x77: {  	_ =	shalt  }
0x78: {  	_ =	shalt  }
0x79: {  	_ =	shalt  }
0x7a: {  	_ =	shalt  }
0x7b: {  	_ =	shalt  }
0x7c: {  	_ =	shalt  }
0x7d: {  	_ =	shalt  }
0x7e: {  	_ =	shalt  }
0x7f: {  	_ =	shalt  }
0x80: {  	_ =	shalt  }
0x81: {  	_ =	shalt  }
0x82: {  	_ =	shalt  }
0x83: {  	_ =	shalt  }
0x84: {  	_ =	shalt  }
0x85: {  	_ =	shalt  }
0x86: {  	_ =	shalt  }
0x87: {  	_ =	shalt  }
.Lfunc_end0:
.L_simem_size_0:
called_computation_lowered:
.L_overlay_start_0:
0x88: {  	s2 =	sld [smem:$0x3FD9]  }
0x89: {  	s3 =	sld [smem:$0x3FFE];
	_ =	sdelay $0x1  }
0x8a: {  	s1 =	srdreg.scid  }
0x8b: {  	s0 =	sand.u32 $0x1, s1  }
0x8c: {  	s15 =	sshll.u32 s0, $0xA;
	s2 =	sadd.s32 s3, s2  }
0x8d: {  	s2 =	sadd.s32 s2, s15  }
0x8e: {  	[smem:$0x3FC5] =	sst s2  }
0x8f: {  	_ = 	snop  }
0x90: {  	s2 =	sld [smem:$0x3FD0]  }
0x91: {  	s16 =	sld [smem:$0x3FC9]  }
0x92: {  	s4 =	sld [smem:$0x3FC8]  }
0x93: {  	s6 =	simm.s32 $0xA;
	s7 =	simm.s32 $0x10;
	s5 =	sld [smem:$0x3FC7]  }
0x94: {  	[smem:s7], [sflag:s6] =	dma.local [hbm:s2], $0x1  }
0x95: {  	_ =	swait.eq [sflag:s6], $0x1  }
0x96: {  	[sflag:s6] =	ssyncset.done $0x0  }
0x97: {  	s17 =	sld [smem:$0x10];
	[sflag:s6] =	ssyncadd.s32 $0xFFFFFFFF  }
0x98: {  	s18 =	sld [smem:$0x11];
	(tm) =	ssettm $0x1  }
0x99: {  	s19 =	sld [smem:$0x3FFB];
	_ =	sdelay $0x3  }
0x9a: {  	_ =	strace s19  }
0x9b: {  	s7 =	sld [smem:$0x3FFC];
	_ =	sdelay $0x3  }
0x9c: {  	_ =	strace s7  }
0x9d: {  	s7 =	sld [smem:$0x3FFD];
	_ =	sdelay $0x3  }
0x9e: {  	_ =	strace s7  }
0x9f: {  	_ =	strace $0x8FFFFFFF  }
0xa0: {  	s20 =	sld [smem:$0x3FDB];
	_ =	sdelay $0x1  }
0xa1: {  	s8 =	simm.s32 $_scs_section_size  }
0xa2: {  	s9 =	simm.s32 $_size__tile_overlayer_lowered;
	s10 =	simm.s32 $_tile_overlayer_lowered  }
0xa3: {  	s23 =	simm.s32 $0x1BFF;
	s22 =	sshll.u32 s10, $0x1;
	s7 =	sadd.s32 s8, s20  }
0xa4: {  	s11 =	simm.s32 $0x0;
	s21 =	sshll.u32 s9, $0x1;
	s9 =	sadd.s32 s22, s7  }
0xa5: {  	[timem:s11], [sflag:s23] =	dma.local [hbm:s9], s21  }
0xa6: {  	_ =	swait.ge [sflag:s23], s21  }
0xa7: {  	s8 =	ssub.s32 $0x0, s21;
	[sflag:s23] =	ssyncset.done $0x0  }
0xa8: {  	[sflag:s23] =	ssyncadd.s32 s8;
	_ =	sdelay $0x1  }
0xa9: {  	s24 =	simm.s32 $0x1B8B  }
0xaa: {  	_ =	swait.ge [sflag:s24], $0x1  }
0xab: {  	[sflag:s24] =	ssyncset.done $0x0  }
0xac: {  	s25 =	simm.s32 $0x1B8E;
	[sflag:s24] =	ssyncadd.s32 $0xFFFFFFFF  }
0xad: {  	s26 =	simm.s32 $execute0_lowered;
	[smem:$0x3FD2] =	sst s25  }
0xae: {  	s8 =	sshll.u32 s26, $0x1;
	_ =	strace $0x80000046;
	[dreg:$0x1] =	wrdreg $0xFFFFFFFF  }
0xaf: {  	s28 =	simm.s32 $_size_execute0_lowered;
	s7 =	sadd.s32 s7, s8;
	[dreg:$0x0] =	wrdreg $0x0  }
0xb0: {  	s8 =	sshll.u32 s28, $0x1;
	[dreg:$0x2] =	wrdreg s7  }
0xb1: {  	[dreg:$0x3] =	wrdreg s8  }
0xb2: {  	[dreg:$0x4] =	wrdreg $0xC0  }
0xb3: {  	_ =	task [dreg:s11], $0x5FFFF  }
0xb4: {  	[dreg:$0x1] =	wrdreg $0xFFFFFFFF  }
0xb5: {  	[dreg:$0x0] =	wrdreg $0x60  }
0xb6: {  	[dreg:$0x2] =	wrdreg s16  }
0xb7: {  	[dreg:$0x3] =	wrdreg s4  }
0xb8: {  	[dreg:$0x4] =	wrdreg s5  }
0xb9: {  	[dreg:$0x5] =	wrdreg s17  }
0xba: {  	[dreg:$0x6] =	wrdreg s18  }
0xbb: {  	[dreg:$0x7] =	wrdreg $0x9  }
0xbc: {  	_ =	task.clear_ibuf [dreg:s11], $0x8FFFF;
	_ =	strace $0x90000046  }
0xbd: {  	s29 =	simm.s32 $0x9;
	_ =	strace $0x80000048  }
0xbe: {  	_ =	swait.ge [sflag:s29], $0x1  }
0xbf: {  	[sflag:s29] =	ssyncadd.s32 $0xFFFFFFFF  }
0xc0: {  	_ =	strace $0x90000048  }
0xc1: {  	_ =	sfence  }
0xc2: {  	s30 =	sld [smem:$0x0];
	_ =	sdelay $0x2  }
0xc3: {  	s31 =	sshll.u32 s1, $0xD;
	s1 =	sshrl.u32 s1, $0x2  }
0xc4: {  	s3 =	sand.u32 $0x4000, s31;
	s1 =	sadd.s32 s1, s30  }
0xc5: {  	s0 =	sor.u32 s3, s0;
	s1 =	sshll.u32 s1, $0x11  }
0xc6: {  	s0 =	sor.u32 s1, s0  }
0xc7: {  	s0 =	sadd.s32 $0x8F2B, s0  }
0xc8: {  	[sflag:s0] =	ssyncadd.remote.s32 $0x1  }
0xc9: {  	_ =	sfence.sel $0xFFFF  }
0xca: {  	[dreg:$0x0] =	wrdreg $0xFFFFFFFF;
	(pc) =	sbr.abs _section_cstart, $3  }
0xcb: {  	[dreg:$0x1] =	wrdreg $0xFFFFFFFF  }
0xcc: {  	_ =	task.clear_ibuf [dreg:s11], $0x2FFFF;
	_ =	strace $0x9FFFFFFF  }
0xcd: {  	(tm) =	ssettm $0x7FFFFFFF  }
tec
execute0_lowered:
.L_overlay_start_1:
0x0: {  	(tag) =	ssettag $0x1  }
0x1: {  	s0 =	rddreg [dreg:$0x0]  }
0x2: {  	s7 =	rddreg [dreg:$0x1]  }
0x3: {  	s4 =	rddreg [dreg:$0x2]  }
0x4: {  	s1 =	srdreg.scid;
	s3 =	rddreg [dreg:$0x3]  }
0x5: {  	s2 =	stileid.u32;
	s5 =	rddreg [dreg:$0x4]  }
0x6: {  	s31 =	simm.s32 $0xF;
	s30 =	simm.s32 $0x100;
	s21 =	simm.s32 $0x8200  }
0x7: {  	s28 =	simm.s32 $0x180;
	s19 =	simm.s32 $0xC200;
	s17 =	simm.s32 $0x10200  }
0x8: {  	s29 =	simm.s32 $0x2;
	s22 =	simm.s32 $0x5;
	s20 =	simm.s32 $0x6  }
0x9: {  	s18 =	simm.s32 $0x7;
	p0 =	por $0x0, $0x0;
	s1 =	sand.u32 $0x1, s1  }
0xa: {  	s6 =	sshll.u32 s2, $0xA;
	s2 =	simm.s32 $0x0;
	s8 =	sshll.u32 s1, $0x9  }
0xb: {  	[smem:$0x7FF] =	sst s2;
	s1 =	ssub.s32 $0x2, s1;
	s6 =	sor.u32 s8, s6  }
0xc: {  	_ =	strace $0x80000047;
	s14 =	sshrl.u32 s1, $0x1;
	s8 =	sshrl.u32 s6, $0x3  }
0xd: {  	s6 =	sshll.u32 s6, $0x4;
	s1 =	ssub.s32 s1, s14;
	s14 =	simm.s32 $0xA  }
0xe: {  	s0 =	sadd.s32 s0, s8;
	s23 =	sadd.s32 s3, s6;
	s24 =	sor.u32 $0x800, s6  }
0xf: {  	s9 =	sor.u32 $0x1000, s6;
	s10 =	sor.u32 $0x1800, s6;
	s12 =	sadd.s32 s5, s6  }
0x10: {  	s16 =	smax.u32 s1, $0x1;
	s6 =	simm.s32 $0x200;
	[dreg:$0x6] =	wrdreg s0  }
0x11: {  	s8 =	simm.s32 $0xE;
	[dreg:$0x7] =	wrdreg s23;
	s25 =	sadd.s32 s3, s24  }
0x12: {  	s26 =	sadd.s32 s3, s9;
	s11 =	sadd.s32 s3, s10;
	[dreg:$0xb] =	wrdreg s12  }
0x13: {  	s13 =	sadd.s32 s5, s24;
	s15 =	sadd.s32 s5, s9;
	s5 =	sadd.s32 s5, s10  }
0x14: {  	s24 =	simm.s32 $0x80;
	s23 =	simm.s32 $0x4200;
	[dreg:$0x8] =	wrdreg s25  }
0x15: {  	s12 =	simm.s32 $0x18200;
	p1 =	sne.s32 s16, $0x1;
	[dreg:$0x9] =	wrdreg s26  }
.Ltmp0:
0x16: {  	s10 =	simm.s32 $0x1;
	[dreg:$0xa] =	wrdreg s11;
	(pc) =	sbr.rel @!p1 .LBB2_3-.Ltmp0, $4  }
0x17: {  	s3 =	simm.s32 $0x8;
	s1 =	sadd.s32 $0xFFFFFFFF, s16;
	[dreg:$0xc] =	wrdreg s13  }
0x18: {  	s16 =	simm.s32 $0x9;
	s9 =	simm.s32 $0xD;
	[dreg:$0xd] =	wrdreg s15  }
0x19: {  	s15 =	simm.s32 $0x14200;
	s26 =	simm.s32 $0x3;
	s25 =	simm.s32 $0x4  }
0x1a: {  	s13 =	simm.s32 $0xB;
	s11 =	simm.s32 $0xC;
	s0 =	rddreg [dreg:$0x6]  }
0x1b: {  	[tilespmem:s2], [sflag:$0xF] =	stream.linear.gather [hbm4b:s0+s2], $0x200, $0x38;
	[tilespmem:$0x1C200] =	vst v63  }
0x1c: {  	_ =	swait.ge [sflag:s31], $0x200  }
0x1d: {  	[sflag:s31] =	ssyncset.done $0x0  }
0x1e: {  	[sflag:s31] =	ssyncadd.s32 $0xFFFFFE00  }
0x1f: {  	[tilespmem:s6], [sflag:$0x1] =	stream.indirect.gather [hbm4b:s7+s24], $0x80, s2, s24, $0xb8;
	[tilespmem:$0x1C200] =	vst v63  }
0x20: {  	_ = 	snop  }
0x21: {  	[tilespmem:s23], [sflag:$0x2] =	stream.indirect.gather [hbm4b:s7+s24], $0x80, s24, s24, $0xb8;
	[tilespmem:$0x1C200] =	vst v63  }
0x22: {  	_ = 	snop  }
0x23: {  	[tilespmem:s21], [sflag:$0x3] =	stream.indirect.gather [hbm4b:s7+s24], $0x80, s30, s24, $0xb8;
	[tilespmem:$0x1C200] =	vst v63  }
0x24: {  	_ = 	snop  }
0x25: {  	[tilespmem:s19], [sflag:$0x4] =	stream.indirect.gather [hbm4b:s7+s24], $0x80, s28, s24, $0xb8;
	[tilespmem:$0x1C200] =	vst v63  }
0x26: {  	_ = 	snop  }
0x27: {  	[tilespmem:s17], [sflag:$0x5] =	stream.indirect.gather [hbm4b:s4+s24], $0x80, s2, s24, $0xb8;
	[tilespmem:$0x1C200] =	vst v63  }
0x28: {  	_ = 	snop  }
0x29: {  	[tilespmem:s15], [sflag:$0x6] =	stream.indirect.gather [hbm4b:s4+s24], $0x80, s24, s24, $0xb8;
	[tilespmem:$0x1C200] =	vst v63  }
0x2a: {  	_ = 	snop  }
0x2b: {  	[tilespmem:s12], [sflag:$0x7] =	stream.indirect.gather [hbm4b:s4+s24], $0x80, s30, s24, $0xb8;
	[tilespmem:$0x1C200] =	vst v63  }
0x2c: {  	_ =	swait.ge [sflag:s10], $0x4000  }
0x2d: {  	[sflag:s10] =	ssyncset.done $0x0  }
0x2e: {  	s0 =	rddreg [dreg:$0x7];
	[sflag:s10] =	ssyncadd.s32 $0xFFFFC000  }
0x2f: {  	[hbm4b:s0+s2] =	stream.linear.scatter [tilespmem:s6], [sflag:$0x8], $0x4000, $0x38;
	[tilespmem:$0x1C200] =	vst v63  }
0x30: {  	_ =	swait.ge [sflag:s3], $0x4000  }
0x31: {  	[sflag:s3] =	ssyncset.done $0x0  }
0x32: {  	[sflag:s3] =	ssyncadd.s32 $0xFFFFC000  }
0x33: {  	[tilespmem:s6], [sflag:$0x1] =	stream.indirect.gather [hbm4b:s4+s24], $0x80, s28, s24, $0xb8;
	[tilespmem:$0x1C200] =	vst v63  }
0x34: {  	_ =	swait.ge [sflag:s29], $0x4000  }
0x35: {  	[sflag:s29] =	ssyncset.done $0x0  }
0x36: {  	s0 =	rddreg [dreg:$0x8];
	[sflag:s29] =	ssyncadd.s32 $0xFFFFC000  }
0x37: {  	[hbm4b:s0+s2] =	stream.linear.scatter [tilespmem:s23], [sflag:$0x9], $0x4000, $0x38;
	[tilespmem:$0x1C200] =	vst v63  }
0x38: {  	_ =	swait.ge [sflag:s26], $0x4000  }
0x39: {  	[sflag:s26] =	ssyncset.done $0x0  }
0x3a: {  	s0 =	rddreg [dreg:$0x9];
	[sflag:s26] =	ssyncadd.s32 $0xFFFFC000  }
0x3b: {  	[hbm4b:s0+s2] =	stream.linear.scatter [tilespmem:s21], [sflag:$0xA], $0x4000, $0x38;
	[tilespmem:$0x1C200] =	vst v63  }
0x3c: {  	_ =	swait.ge [sflag:s25], $0x4000  }
0x3d: {  	[sflag:s25] =	ssyncset.done $0x0  }
0x3e: {  	s0 =	rddreg [dreg:$0xa];
	[sflag:s25] =	ssyncadd.s32 $0xFFFFC000  }
0x3f: {  	[hbm4b:s0+s2] =	stream.linear.scatter [tilespmem:s19], [sflag:$0xB], $0x4000, $0x38;
	[tilespmem:$0x1C200] =	vst v63  }
0x40: {  	_ =	swait.ge [sflag:s22], $0x4000  }
0x41: {  	[sflag:s22] =	ssyncset.done $0x0  }
0x42: {  	s0 =	rddreg [dreg:$0xb];
	[sflag:s22] =	ssyncadd.s32 $0xFFFFC000  }
0x43: {  	[hbm4b:s0+s2] =	stream.linear.scatter [tilespmem:s17], [sflag:$0xC], $0x4000, $0x38;
	[tilespmem:$0x1C200] =	vst v63  }
0x44: {  	_ =	swait.ge [sflag:s20], $0x4000  }
0x45: {  	[sflag:s20] =	ssyncset.done $0x0  }
0x46: {  	s0 =	rddreg [dreg:$0xc];
	[sflag:s20] =	ssyncadd.s32 $0xFFFFC000  }
0x47: {  	[hbm4b:s0+s2] =	stream.linear.scatter [tilespmem:s15], [sflag:$0xD], $0x4000, $0x38;
	[tilespmem:$0x1C200] =	vst v63  }
0x48: {  	_ =	swait.ge [sflag:s18], $0x4000  }
0x49: {  	[sflag:s18] =	ssyncset.done $0x0  }
0x4a: {  	s0 =	rddreg [dreg:$0xd];
	[sflag:s18] =	ssyncadd.s32 $0xFFFFC000  }
0x4b: {  	[hbm4b:s0+s2] =	stream.linear.scatter [tilespmem:s12], [sflag:$0xE], $0x4000, $0x38;
	[tilespmem:$0x1C200] =	vst v63  }
0x4c: {  	_ =	swait.ge [sflag:s10], $0x4000  }
0x4d: {  	[sflag:s10] =	ssyncset.done $0x0  }
0x4e: {  	[sflag:s10] =	ssyncadd.s32 $0xFFFFC000  }
0x4f: {  	[hbm4b:s5+s2] =	stream.linear.scatter [tilespmem:s6], [sflag:$0x8], $0x4000, $0x38;
	[tilespmem:$0x1C200] =	vst v63  }
0x50: {  	_ =	swait.ge [sflag:s16], $0x4000  }
0x51: {  	[sflag:s16] =	ssyncset.done $0x0  }
0x52: {  	[sflag:s16] =	ssyncadd.s32 $0xFFFFC000  }
0x53: {  	_ =	swait.ge [sflag:s14], $0x4000  }
0x54: {  	[sflag:s14] =	ssyncset.done $0x0  }
0x55: {  	[sflag:s14] =	ssyncadd.s32 $0xFFFFC000  }
0x56: {  	_ =	swait.ge [sflag:s13], $0x4000  }
0x57: {  	[sflag:s13] =	ssyncset.done $0x0  }
0x58: {  	[sflag:s13] =	ssyncadd.s32 $0xFFFFC000  }
0x59: {  	_ =	swait.ge [sflag:s11], $0x4000  }
0x5a: {  	[sflag:s11] =	ssyncset.done $0x0  }
0x5b: {  	[sflag:s11] =	ssyncadd.s32 $0xFFFFC000  }
0x5c: {  	_ =	swait.ge [sflag:s9], $0x4000  }
0x5d: {  	[sflag:s9] =	ssyncset.done $0x0  }
0x5e: {  	p1 =	sne.s32 s1, $0x1;
	[sflag:s9] =	ssyncadd.s32 $0xFFFFC000  }
.Ltmp1:
0x5f: {  	_ =	swait.ge [sflag:s8], $0x4000;
	(pc) =	sbr.rel @!p1 .LBB2_3-.Ltmp1, $4  }
0x60: {  	[sflag:s8] =	ssyncset.done $0x0  }
0x61: {  	[sflag:s8] =	ssyncadd.s32 $0xFFFFC000  }
0x62: {  	s1 =	sadd.s32 $0xFFFFFFFF, s1;
	_ =	swait.ge [sflag:s3], $0x4000  }
0x63: {  	p0 =	por $0x1, $0x1;
	s0 =	rddreg [dreg:$0x6];
	[sflag:s3] =	ssyncset.done $0x0  }
.LBB2_2:
0x64: {  	[sflag:s3] =	ssyncadd.s32 $0xFFFFC000  }
0x65: {  	[tilespmem:s2], [sflag:$0xF] =	stream.linear.gather [hbm4b:s0+s2], $0x200, $0x38;
	[tilespmem:$0x1C200] =	vst v63  }
0x66: {  	_ =	swait.ge [sflag:s31], $0x200  }
0x67: {  	[sflag:s31] =	ssyncset.done $0x0  }
0x68: {  	[sflag:s31] =	ssyncadd.s32 $0xFFFFFE00  }
0x69: {  	[tilespmem:s6], [sflag:$0x1] =	stream.indirect.gather [hbm4b:s7+s24], $0x80, s2, s24, $0xb8;
	[tilespmem:$0x1C200] =	vst v63  }
0x6a: {  	_ = 	snop  }
0x6b: {  	[tilespmem:s23], [sflag:$0x2] =	stream.indirect.gather [hbm4b:s7+s24], $0x80, s24, s24, $0xb8;
	[tilespmem:$0x1C200] =	vst v63  }
0x6c: {  	_ = 	snop  }
0x6d: {  	[tilespmem:s21], [sflag:$0x3] =	stream.indirect.gather [hbm4b:s7+s24], $0x80, s30, s24, $0xb8;
	[tilespmem:$0x1C200] =	vst v63  }
0x6e: {  	_ = 	snop  }
0x6f: {  	[tilespmem:s19], [sflag:$0x4] =	stream.indirect.gather [hbm4b:s7+s24], $0x80, s28, s24, $0xb8;
	[tilespmem:$0x1C200] =	vst v63  }
0x70: {  	_ = 	snop  }
0x71: {  	[tilespmem:s17], [sflag:$0x5] =	stream.indirect.gather [hbm4b:s4+s24], $0x80, s2, s24, $0xb8;
	[tilespmem:$0x1C200] =	vst v63  }
0x72: {  	_ = 	snop  }
0x73: {  	[tilespmem:s15], [sflag:$0x6] =	stream.indirect.gather [hbm4b:s4+s24], $0x80, s24, s24, $0xb8;
	[tilespmem:$0x1C200] =	vst v63  }
0x74: {  	_ = 	snop  }
0x75: {  	[tilespmem:s12], [sflag:$0x7] =	stream.indirect.gather [hbm4b:s4+s24], $0x80, s30, s24, $0xb8;
	[tilespmem:$0x1C200] =	vst v63  }
0x76: {  	_ =	swait.ge [sflag:s10], $0x4000  }
0x77: {  	[sflag:s10] =	ssyncset.done $0x0  }
0x78: {  	s0 =	rddreg [dreg:$0x7];
	[sflag:s10] =	ssyncadd.s32 $0xFFFFC000  }
0x79: {  	[hbm4b:s0+s2] =	stream.linear.scatter [tilespmem:s6], [sflag:$0x8], $0x4000, $0x38;
	[tilespmem:$0x1C200] =	vst v63  }
0x7a: {  	_ =	swait.ge [sflag:s3], $0x4000  }
0x7b: {  	[sflag:s3] =	ssyncset.done $0x0  }
0x7c: {  	[sflag:s3] =	ssyncadd.s32 $0xFFFFC000  }
0x7d: {  	[tilespmem:s6], [sflag:$0x1] =	stream.indirect.gather [hbm4b:s4+s24], $0x80, s28, s24, $0xb8;
	[tilespmem:$0x1C200] =	vst v63  }
0x7e: {  	_ =	swait.ge [sflag:s29], $0x4000  }
0x7f: {  	[sflag:s29] =	ssyncset.done $0x0  }
0x80: {  	s0 =	rddreg [dreg:$0x8];
	[sflag:s29] =	ssyncadd.s32 $0xFFFFC000  }
0x81: {  	[hbm4b:s0+s2] =	stream.linear.scatter [tilespmem:s23], [sflag:$0x9], $0x4000, $0x38;
	[tilespmem:$0x1C200] =	vst v63  }
0x82: {  	_ =	swait.ge [sflag:s26], $0x4000  }
0x83: {  	[sflag:s26] =	ssyncset.done $0x0  }
0x84: {  	s0 =	rddreg [dreg:$0x9];
	[sflag:s26] =	ssyncadd.s32 $0xFFFFC000  }
0x85: {  	[hbm4b:s0+s2] =	stream.linear.scatter [tilespmem:s21], [sflag:$0xA], $0x4000, $0x38;
	[tilespmem:$0x1C200] =	vst v63  }
0x86: {  	_ =	swait.ge [sflag:s25], $0x4000  }
0x87: {  	[sflag:s25] =	ssyncset.done $0x0  }
0x88: {  	s0 =	rddreg [dreg:$0xa];
	[sflag:s25] =	ssyncadd.s32 $0xFFFFC000  }
0x89: {  	[hbm4b:s0+s2] =	stream.linear.scatter [tilespmem:s19], [sflag:$0xB], $0x4000, $0x38;
	[tilespmem:$0x1C200] =	vst v63  }
0x8a: {  	_ =	swait.ge [sflag:s22], $0x4000  }
0x8b: {  	[sflag:s22] =	ssyncset.done $0x0  }
0x8c: {  	s0 =	rddreg [dreg:$0xb];
	[sflag:s22] =	ssyncadd.s32 $0xFFFFC000  }
0x8d: {  	[hbm4b:s0+s2] =	stream.linear.scatter [tilespmem:s17], [sflag:$0xC], $0x4000, $0x38;
	[tilespmem:$0x1C200] =	vst v63  }
0x8e: {  	_ =	swait.ge [sflag:s20], $0x4000  }
0x8f: {  	[sflag:s20] =	ssyncset.done $0x0  }
0x90: {  	s0 =	rddreg [dreg:$0xc];
	[sflag:s20] =	ssyncadd.s32 $0xFFFFC000  }
0x91: {  	[hbm4b:s0+s2] =	stream.linear.scatter [tilespmem:s15], [sflag:$0xD], $0x4000, $0x38;
	[tilespmem:$0x1C200] =	vst v63  }
0x92: {  	_ =	swait.ge [sflag:s18], $0x4000  }
0x93: {  	[sflag:s18] =	ssyncset.done $0x0  }
0x94: {  	s0 =	rddreg [dreg:$0xd];
	[sflag:s18] =	ssyncadd.s32 $0xFFFFC000  }
0x95: {  	[hbm4b:s0+s2] =	stream.linear.scatter [tilespmem:s12], [sflag:$0xE], $0x4000, $0x38;
	[tilespmem:$0x1C200] =	vst v63  }
0x96: {  	_ =	swait.ge [sflag:s10], $0x4000  }
0x97: {  	[sflag:s10] =	ssyncset.done $0x0  }
0x98: {  	[sflag:s10] =	ssyncadd.s32 $0xFFFFC000  }
0x99: {  	[hbm4b:s5+s2] =	stream.linear.scatter [tilespmem:s6], [sflag:$0x8], $0x4000, $0x38;
	[tilespmem:$0x1C200] =	vst v63  }
0x9a: {  	_ =	swait.ge [sflag:s16], $0x4000  }
0x9b: {  	[sflag:s16] =	ssyncset.done $0x0  }
0x9c: {  	[sflag:s16] =	ssyncadd.s32 $0xFFFFC000  }
0x9d: {  	_ =	swait.ge [sflag:s14], $0x4000  }
0x9e: {  	[sflag:s14] =	ssyncset.done $0x0  }
0x9f: {  	[sflag:s14] =	ssyncadd.s32 $0xFFFFC000  }
0xa0: {  	_ =	swait.ge [sflag:s13], $0x4000  }
0xa1: {  	[sflag:s13] =	ssyncset.done $0x0  }
0xa2: {  	[sflag:s13] =	ssyncadd.s32 $0xFFFFC000  }
0xa3: {  	_ =	swait.ge [sflag:s11], $0x4000  }
0xa4: {  	[sflag:s11] =	ssyncset.done $0x0  }
0xa5: {  	[sflag:s11] =	ssyncadd.s32 $0xFFFFC000  }
0xa6: {  	_ =	swait.ge [sflag:s9], $0x4000  }
0xa7: {  	[sflag:s9] =	ssyncset.done $0x0  }
0xa8: {  	p1 =	sne.s32 s1, $0x1;
	[sflag:s9] =	ssyncadd.s32 $0xFFFFC000  }
.Ltmp2:
0xa9: {  	_ =	swait.ge [sflag:s8], $0x4000;
	(pc) =	sbr.rel @p1 .LBB2_2-.Ltmp2, $4  }
0xaa: {  	[sflag:s8] =	ssyncset.done $0x0  }
0xab: {  	[sflag:s8] =	ssyncadd.s32 $0xFFFFC000  }
0xac: {  	_ =	swait.ge [sflag:s3], $0x4000  }
0xad: {  	s1 =	sadd.s32 $0xFFFFFFFF, s1;
	s0 =	rddreg [dreg:$0x6];
	[sflag:s3] =	ssyncset.done $0x0  }
.LBB2_3:
0xae: {  	[sflag:s3] =	ssyncadd.s32 @p0 $0xFFFFC000  }
0xaf: {  	[tilespmem:s2], [sflag:$0xF] =	stream.linear.gather [hbm4b:s0+s2], $0x200, $0x38;
	[tilespmem:$0x1C200] =	vst v63  }
0xb0: {  	_ =	swait.ge [sflag:s31], $0x200  }
0xb1: {  	[sflag:s31] =	ssyncset.done $0x0  }
0xb2: {  	[sflag:s31] =	ssyncadd.s32 $0xFFFFFE00  }
0xb3: {  	[tilespmem:s6], [sflag:$0x1] =	stream.indirect.gather [hbm4b:s7+s24], $0x80, s2, s24, $0xb8;
	[tilespmem:$0x1C200] =	vst v63  }
0xb4: {  	_ = 	snop  }
0xb5: {  	[tilespmem:s23], [sflag:$0x2] =	stream.indirect.gather [hbm4b:s7+s24], $0x80, s24, s24, $0xb8;
	[tilespmem:$0x1C200] =	vst v63  }
0xb6: {  	_ = 	snop  }
0xb7: {  	[tilespmem:s21], [sflag:$0x3] =	stream.indirect.gather [hbm4b:s7+s24], $0x80, s30, s24, $0xb8;
	[tilespmem:$0x1C200] =	vst v63  }
0xb8: {  	_ = 	snop  }
0xb9: {  	[tilespmem:s19], [sflag:$0x4] =	stream.indirect.gather [hbm4b:s7+s24], $0x80, s28, s24, $0xb8;
	[tilespmem:$0x1C200] =	vst v63  }
0xba: {  	_ = 	snop  }
0xbb: {  	[tilespmem:s17], [sflag:$0x5] =	stream.indirect.gather [hbm4b:s4+s24], $0x80, s2, s24, $0xb8;
	[tilespmem:$0x1C200] =	vst v63  }
0xbc: {  	_ = 	snop  }
0xbd: {  	[tilespmem:s15], [sflag:$0x6] =	stream.indirect.gather [hbm4b:s4+s24], $0x80, s24, s24, $0xb8;
	[tilespmem:$0x1C200] =	vst v63  }
0xbe: {  	_ = 	snop  }
0xbf: {  	[tilespmem:s12], [sflag:$0x7] =	stream.indirect.gather [hbm4b:s4+s24], $0x80, s30, s24, $0xb8;
	[tilespmem:$0x1C200] =	vst v63  }
0xc0: {  	_ =	swait.ge [sflag:s10], $0x4000  }
0xc1: {  	[sflag:s10] =	ssyncset.done $0x0  }
0xc2: {  	s1 =	rddreg [dreg:$0x7];
	[sflag:s10] =	ssyncadd.s32 $0xFFFFC000  }
0xc3: {  	[hbm4b:s1+s2] =	stream.linear.scatter [tilespmem:s6], [sflag:$0x8], $0x4000, $0x38;
	[tilespmem:$0x1C200] =	vst v63  }
0xc4: {  	_ =	swait.ge [sflag:s3], $0x4000  }
0xc5: {  	[sflag:s3] =	ssyncset.done $0x0  }
0xc6: {  	[sflag:s3] =	ssyncadd.s32 $0xFFFFC000  }
0xc7: {  	[tilespmem:s6], [sflag:$0x1] =	stream.indirect.gather [hbm4b:s4+s24], $0x80, s28, s24, $0xb8;
	[tilespmem:$0x1C200] =	vst v63  }
0xc8: {  	_ =	swait.ge [sflag:s29], $0x4000  }
0xc9: {  	[sflag:s29] =	ssyncset.done $0x0  }
0xca: {  	s7 =	rddreg [dreg:$0x8];
	[sflag:s29] =	ssyncadd.s32 $0xFFFFC000  }
0xcb: {  	[hbm4b:s7+s2] =	stream.linear.scatter [tilespmem:s23], [sflag:$0x9], $0x4000, $0x38;
	[tilespmem:$0x1C200] =	vst v63  }
0xcc: {  	_ =	swait.ge [sflag:s26], $0x4000  }
0xcd: {  	[sflag:s26] =	ssyncset.done $0x0  }
0xce: {  	s24 =	rddreg [dreg:$0x9];
	[sflag:s26] =	ssyncadd.s32 $0xFFFFC000  }
0xcf: {  	[hbm4b:s24+s2] =	stream.linear.scatter [tilespmem:s21], [sflag:$0xA], $0x4000, $0x38;
	[tilespmem:$0x1C200] =	vst v63  }
0xd0: {  	_ =	swait.ge [sflag:s25], $0x4000  }
0xd1: {  	[sflag:s25] =	ssyncset.done $0x0  }
0xd2: {  	s26 =	rddreg [dreg:$0xa];
	[sflag:s25] =	ssyncadd.s32 $0xFFFFC000  }
0xd3: {  	[hbm4b:s26+s2] =	stream.linear.scatter [tilespmem:s19], [sflag:$0xB], $0x4000, $0x38;
	[tilespmem:$0x1C200] =	vst v63  }
0xd4: {  	_ =	swait.ge [sflag:s22], $0x4000  }
0xd5: {  	[sflag:s22] =	ssyncset.done $0x0  }
0xd6: {  	s28 =	rddreg [dreg:$0xb];
	[sflag:s22] =	ssyncadd.s32 $0xFFFFC000  }
0xd7: {  	[hbm4b:s28+s2] =	stream.linear.scatter [tilespmem:s17], [sflag:$0xC], $0x4000, $0x38;
	[tilespmem:$0x1C200] =	vst v63  }
0xd8: {  	_ =	swait.ge [sflag:s20], $0x4000  }
0xd9: {  	[sflag:s20] =	ssyncset.done $0x0  }
0xda: {  	s29 =	rddreg [dreg:$0xc];
	[sflag:s20] =	ssyncadd.s32 $0xFFFFC000  }
0xdb: {  	[hbm4b:s29+s2] =	stream.linear.scatter [tilespmem:s15], [sflag:$0xD], $0x4000, $0x38;
	[tilespmem:$0x1C200] =	vst v63  }
0xdc: {  	_ =	swait.ge [sflag:s18], $0x4000  }
0xdd: {  	[sflag:s18] =	ssyncset.done $0x0  }
0xde: {  	s30 =	rddreg [dreg:$0xd];
	[sflag:s18] =	ssyncadd.s32 $0xFFFFC000  }
0xdf: {  	[hbm4b:s30+s2] =	stream.linear.scatter [tilespmem:s12], [sflag:$0xE], $0x4000, $0x38;
	[tilespmem:$0x1C200] =	vst v63  }
0xe0: {  	_ =	swait.ge [sflag:s10], $0x4000  }
0xe1: {  	[sflag:s10] =	ssyncset.done $0x0  }
0xe2: {  	[sflag:s10] =	ssyncadd.s32 $0xFFFFC000  }
0xe3: {  	[hbm4b:s5+s2] =	stream.linear.scatter [tilespmem:s6], [sflag:$0x8], $0x4000, $0x38;
	[tilespmem:$0x1C200] =	vst v63  }
0xe4: {  	_ =	swait.ge [sflag:s16], $0x4000  }
0xe5: {  	[sflag:s16] =	ssyncset.done $0x0  }
0xe6: {  	[sflag:s16] =	ssyncadd.s32 $0xFFFFC000  }
0xe7: {  	_ =	swait.ge [sflag:s14], $0x4000  }
0xe8: {  	[sflag:s14] =	ssyncset.done $0x0  }
0xe9: {  	[sflag:s14] =	ssyncadd.s32 $0xFFFFC000  }
0xea: {  	_ =	swait.ge [sflag:s13], $0x4000  }
0xeb: {  	[sflag:s13] =	ssyncset.done $0x0  }
0xec: {  	[sflag:s13] =	ssyncadd.s32 $0xFFFFC000  }
0xed: {  	_ =	swait.ge [sflag:s11], $0x4000  }
0xee: {  	[sflag:s11] =	ssyncset.done $0x0  }
0xef: {  	[sflag:s11] =	ssyncadd.s32 $0xFFFFC000  }
0xf0: {  	_ =	swait.ge [sflag:s9], $0x4000  }
0xf1: {  	[sflag:s9] =	ssyncset.done $0x0  }
0xf2: {  	[sflag:s9] =	ssyncadd.s32 $0xFFFFC000  }
0xf3: {  	_ =	swait.ge [sflag:s8], $0x4000  }
0xf4: {  	[sflag:s8] =	ssyncset.done $0x0  }
0xf5: {  	[sflag:s8] =	ssyncadd.s32 $0xFFFFC000  }
0xf6: {  	_ =	swait.ge [sflag:s3], $0x4000  }
0xf7: {  	[sflag:s3] =	ssyncset.done $0x0  }
0xf8: {  	[sflag:s3] =	ssyncadd.s32 $0xFFFFC000  }
0xf9: {  	_ =	sfence.sel $0x180000  }
0xfa: {  	[bflag:$0x0] =	sbarrier.arrive $0xFFFF  }
0xfb: {  	_ =	strace $0x90000047  }
0xfc: {  	s31 =	stileid.u32;
	[bflag:$0x2] =	sbarrier.arrive $0xFFFF  }
0xfd: {  	p0 =	sne.s32 s31, $0x0;
	s0 =	rddreg [dreg:$0x5]  }
0xfe: {  	s0 =	sadd.s32 @!p0 $0x100000, s0  }
0xff: {  	[sflag:s0] =	ssyncadd.tile.s32 @!p0 $0x1;
	_ =	shalt  }
.Lfunc_end2:
_tile_overlayer_lowered:
.L_overlay_start_2:
0x100: {  	(tag) =	ssettag $0x2  }
0x101: {  	s0 =	rddreg [dreg:$0x0];
	s2 =	stileid.u32  }
0x102: {  	s1 =	rddreg [dreg:$0x1];
	p0 =	sne.s32 s2, $0x0  }
0x103: {  	s3 =	rddreg [dreg:$0x2];
	[bflag:$0x3] =	sbarrier.arrive $0xFFFF;
	s2 =	simm.s32 @!p0 $0x1C0F  }
0x104: {  	[timem:s3], [sflag:s2] =	dma.local @!p0 [hbm:s0], s1  }
0x105: {  	s0 =	simm.s32 @!p0 $0xF  }
0x106: {  	_ =	swait.ge @!p0 [sflag:s0], s1  }
0x107: {  	s1 =	ssub.s32 @!p0 $0x0, s1;
	[sflag:s0] =	ssyncset.done @!p0 $0x0  }
0x108: {  	[sflag:s0] =	ssyncadd.s32 @!p0 s1  }
0x109: {  	[bflag:$0x3] =	sbarrier.arrive $0xFFFF  }
0x10a: {  	_ =	shalt  }

</sc_bundles>
